<compile_context>
chip_gen: v7x
topology: tpu7x:2x2x1
jax: 0.10.2.dev20260603
libtpu: 0.0.44.dev20260713+nightly
codegen_flags: <defaults>
</compile_context>

<pallas_src>
import functools

import jax
import jax.numpy as jnp
from jax import lax
from jax.experimental import pallas as pl
from jax.experimental.pallas import tpu as pltpu
from jax.experimental.pallas import tpu_sc as plsc

IN_FEATURES = 512
OUT_FEATURES = 512
NUM_CONNECTIONS = 32
BATCH_BLOCK = 1024

_NUM_WORKERS = 32
_ROWS_PER_WORKER = OUT_FEATURES // _NUM_WORKERS
_CONN_PER_WORKER = _ROWS_PER_WORKER * NUM_CONNECTIONS
_TILE_WORDS = _ROWS_PER_WORKER * IN_FEATURES


def _build_mt_sc(conn_ref, mt_ref, conn_v, tile_v):
    wid = lax.axis_index("s") * 2 + lax.axis_index("c")
    pltpu.sync_copy(conn_ref.at[pl.ds(wid * _CONN_PER_WORKER, _CONN_PER_WORKER)],
                    conn_v)

    zeros = jnp.zeros((16,), jnp.float32)

    def zero_body(i, _):
        tile_v[pl.ds(pl.multiple_of(i * 16, 16), 16)] = zeros
        return 0

    lax.fori_loop(0, _TILE_WORDS // 16, zero_body, 0)

    ones = jnp.full((16,), 1.0, jnp.float32)
    for o in range(_ROWS_PER_WORKER):
        base = o * IN_FEATURES
        for h in range(0, NUM_CONNECTIONS, 16):
            idx = conn_v[pl.ds(o * NUM_CONNECTIONS + h, 16)] + base
            plsc.store_scatter(tile_v, [idx], ones)

    pltpu.sync_copy(tile_v, mt_ref.at[pl.ds(wid * _TILE_WORDS, _TILE_WORDS)])


@functools.partial(
    pl.kernel,
    out_type=jax.ShapeDtypeStruct((OUT_FEATURES * IN_FEATURES,), jnp.float32),
    mesh=plsc.VectorSubcoreMesh(core_axis_name="c", subcore_axis_name="s"),
    scratch_types=[
        pltpu.VMEM((_CONN_PER_WORKER,), jnp.int32),
        pltpu.VMEM((_TILE_WORDS,), jnp.float32),
    ],
    compiler_params=pltpu.CompilerParams(needs_layout_passes=False),
)
def _build_mt(conn_ref, mt_ref, conn_v, tile_v):
    _build_mt_sc(conn_ref, mt_ref, conn_v, tile_v)


def _agg_kernel(mt_ref, op_ref, x_ref, fwd_ref, out_ref):
    s = lax.dot_general(
        x_ref[...], mt_ref[...],
        (((1,), (1,)), ((), ())),
        preferred_element_type=jnp.float32,
    )
    mean = s * (1.0 / NUM_CONNECTIONS)
    opi = op_ref[0, :]
    fwd_ref[...] = jnp.where((opi == 0)[None, :], s, mean)
    out_ref[:, 0, :] = s
    out_ref[:, 1, :] = mean


@jax.jit
def kernel(x, connection_indices, operator_table_indices):
    batch = x.shape[0]
    conn_flat = connection_indices.reshape(-1)
    mt = _build_mt(conn_flat).reshape(OUT_FEATURES, IN_FEATURES)
    op_row = operator_table_indices.reshape(1, OUT_FEATURES)
    grid = (batch // BATCH_BLOCK,)
    fwd, out = pl.pallas_call(
        _agg_kernel,
        grid=grid,
        in_specs=[
            pl.BlockSpec((OUT_FEATURES, IN_FEATURES), lambda i: (0, 0)),
            pl.BlockSpec((1, OUT_FEATURES), lambda i: (0, 0)),
            pl.BlockSpec((BATCH_BLOCK, IN_FEATURES), lambda i: (i, 0)),
        ],
        out_specs=[
            pl.BlockSpec((BATCH_BLOCK, OUT_FEATURES), lambda i: (i, 0)),
            pl.BlockSpec((BATCH_BLOCK, 2, OUT_FEATURES), lambda i: (i, 0, 0)),
        ],
        out_shape=[
            jax.ShapeDtypeStruct((batch, OUT_FEATURES), jnp.float32),
            jax.ShapeDtypeStruct((batch, 2, OUT_FEATURES), jnp.float32),
        ],
        compiler_params=pltpu.CompilerParams(
            dimension_semantics=("arbitrary",),
        ),
    )(mt, op_row, x)
    return (fwd, out)

# --- scband reference (transcript-rebuilt; emitter-appended) ---
"""Pipeline reference for scband-deep-aggregate-layer-7267084665149 (READ-ONLY COPY).

The authoritative reference and input builder live on the scoring server;
editing this copy changes nothing except your own understanding.
"""

import jax, jax.numpy as jnp
import numpy as np

BATCH = 4096
IN_FEATURES = 512
OUT_FEATURES = 512
NUM_CONNECTIONS = 32
NUM_OPS = 2  # operator_table = [sum, mean]


def setup_inputs(seed: int = 0) -> dict:
    key = jax.random.key(seed)
    x = jax.random.normal(key, (BATCH, IN_FEATURES), dtype=jnp.float32)
    # Module state created in __init__ with python random / torch.randperm;
    # reproduce deterministically with numpy RNG.
    rng = np.random.default_rng(0)
    connection_indices = np.stack(
        [rng.permutation(IN_FEATURES)[:NUM_CONNECTIONS] for _ in range(OUT_FEATURES)]
    ).astype(np.int32)  # [out_features, num_connections]
    operator_table_indices = rng.integers(0, NUM_OPS, size=OUT_FEATURES).astype(np.int32)
    return {
        "x": x,
        "connection_indices": jnp.asarray(connection_indices),
        "operator_table_indices": jnp.asarray(operator_table_indices),
    }


def reference(x, connection_indices, operator_table_indices):
    # _forward_train path (is_train=True): vectorized gather + per-operator reduce.
    out_features = connection_indices.shape[0]
    # features: [batch, out_features, num_connections] -- large gather (memory bound)
    features = x[:, connection_indices]
    op_sum = jnp.sum(features, axis=2)   # operator_table[0] = torch.sum
    op_mean = jnp.mean(features, axis=2)  # operator_table[1] = torch.mean
    output = jnp.stack([op_sum, op_mean], axis=1)  # [batch, n_ops, out_features]
    # select per-output-feature operator
    fwd = output.transpose(0, 2, 1)[:, jnp.arange(out_features), operator_table_indices]
    return (fwd, output)

if __name__ == "__main__":
    import jax
    _d = setup_inputs()
    print(jax.jit(kernel)(*tuple(_d.values())))

</pallas_src>

<mosaic_0001>
#map = affine_map<(d0, d1) -> (0)>
module attributes {stable_mosaic.version = 14 : i64} {
  func.func @_build_mt(%arg0: i32, %arg1: i32, %arg2: memref<16384xi32, #tpu.memory_space<hbm>>, %arg3: memref<262144xf32, #tpu.memory_space<hbm>>, %arg4: memref<512xi32, #tpu.memory_space<vmem>>, %arg5: memref<8192xf32, #tpu.memory_space<vmem>>) attributes {dimension_semantics = [#tpu.dimension_semantics<core_parallel>, #tpu.dimension_semantics<subcore_parallel>], iteration_bounds = array<i64: 2, 16>, scalar_prefetch = 0 : i64, scratch_operands = 2 : i64, tpu.core_type = #tpu.core_type<sc_vector_subcore>, window_params = [{transform_indices = #map}, {transform_indices = #map}]} {
    %mul3A = arith.constant 2 : i32
    %mul3A_0 = arith.muli %arg1, %mul3A : i32
    %add3A = arith.addi %mul3A_0, %arg0 : i32
    %mul3A_1 = arith.constant 512 : i32
    %mul3A_2 = arith.muli %add3A, %mul3A_1 : i32
    "tpu.region"() ({
      %run_scoped3A = tpu.sem_alloc : memref<!tpu.dma_semaphore, #tpu.memory_space<semaphore_mem>>
      %dma_start3A = tpu.memref_slice %arg2[%mul3A_2] : memref<16384xi32, #tpu.memory_space<hbm>> -> memref<512xi32, #tpu.memory_space<hbm>>
      %dma_start3A_173 = tpu.memref_slice %arg2[%mul3A_2] : memref<16384xi32, #tpu.memory_space<hbm>> -> memref<512xi32, #tpu.memory_space<hbm>>
      tpu.enqueue_dma source(%dma_start3A_173 : memref<512xi32, #tpu.memory_space<hbm>>) target(%arg4 : memref<512xi32, #tpu.memory_space<vmem>>) target_semaphore(%run_scoped3A : memref<!tpu.dma_semaphore, #tpu.memory_space<semaphore_mem>>)
      %dma_wait3A = tpu.memref_slice %arg2[%mul3A_2] : memref<16384xi32, #tpu.memory_space<hbm>> -> memref<512xi32, #tpu.memory_space<hbm>>
      %dma_wait3A_174 = tpu.memref_slice %arg2[%mul3A_2] : memref<16384xi32, #tpu.memory_space<hbm>> -> memref<512xi32, #tpu.memory_space<hbm>>
      tpu.wait_dma2 semaphore(%run_scoped3A : memref<!tpu.dma_semaphore, #tpu.memory_space<semaphore_mem>>) src(%dma_wait3A_174 : memref<512xi32, #tpu.memory_space<hbm>>) dst(%arg4 : memref<512xi32, #tpu.memory_space<vmem>>)
      tpu.yield
    }) : () -> ()
    %broadcast_in_dim3A = arith.constant 0.000000e+00 : f32
    %broadcast_in_dim3A_3 = vector.broadcast %broadcast_in_dim3A : f32 to vector<16xf32>
    %scan3A = arith.constant 0 : i32
    %scan3A_4 = arith.constant 0 : i32
    %scan3A_5 = arith.constant 512 : i32
    %scan3A_6 = arith.addi %scan3A_4, %scan3A_5 : i32
    %scan3A_7 = arith.constant 1 : i32
    %scan3A_8 = scf.for %scan3A_173 = %scan3A_4 to %scan3A_6 step %scan3A_7 iter_args(%scan3A_174 = %scan3A) -> (i32)  : i32 {
      %mul3A_175 = arith.constant 16 : i32
      %mul3A_176 = arith.muli %scan3A_173, %mul3A_175 : i32
      %multiple_of3A = tpu.assume_multiple %mul3A_176, 16 : i32
      %swap3A = arith.index_cast %multiple_of3A : i32 to index
      %swap3A_177 = tpu.vector_load %arg5[%swap3A] {strides = array<i32>} : memref<8192xf32, #tpu.memory_space<vmem>>, vector<16xf32>,
      tpu.vector_store %arg5[%swap3A], %broadcast_in_dim3A_3 {strides = array<i32>} : memref<8192xf32, #tpu.memory_space<vmem>>, vector<16xf32>,
      %scan3A_178 = arith.constant 0 : i32
      scf.yield %scan3A_178 : i32
    }
    %scan3A_9 = arith.constant 512 : i32
    %broadcast_in_dim3A_10 = arith.constant 1.000000e+00 : f32
    %broadcast_in_dim3A_11 = vector.broadcast %broadcast_in_dim3A_10 : f32 to vector<16xf32>
    %get3A = arith.constant 0 : index
    %get3A_12 = tpu.vector_load %arg4[%get3A] {strides = array<i32>} : memref<512xi32, #tpu.memory_space<vmem>>, vector<16xi32>,
    %add3A_13 = arith.constant 0 : i32
    %add3A_14 = vector.broadcast %add3A_13 : i32 to vector<16xi32>
    %add3A_15 = arith.addi %get3A_12, %add3A_14 : vector<16xi32>
    tpu.vector_store_idx %arg5[%add3A_15], %broadcast_in_dim3A_11 : memref<8192xf32, #tpu.memory_space<vmem>>[vector<16xi32>], vector<16xf32>,
    %get3A_16 = arith.constant 16 : index
    %get3A_17 = tpu.vector_load %arg4[%get3A_16] {strides = array<i32>} : memref<512xi32, #tpu.memory_space<vmem>>, vector<16xi32>,
    %add3A_18 = arith.constant 0 : i32
    %add3A_19 = vector.broadcast %add3A_18 : i32 to vector<16xi32>
    %add3A_20 = arith.addi %get3A_17, %add3A_19 : vector<16xi32>
    tpu.vector_store_idx %arg5[%add3A_20], %broadcast_in_dim3A_11 : memref<8192xf32, #tpu.memory_space<vmem>>[vector<16xi32>], vector<16xf32>,
    %get3A_21 = arith.constant 32 : index
    %get3A_22 = tpu.vector_load %arg4[%get3A_21] {strides = array<i32>} : memref<512xi32, #tpu.memory_space<vmem>>, vector<16xi32>,
    %add3A_23 = arith.constant 512 : i32
    %add3A_24 = vector.broadcast %add3A_23 : i32 to vector<16xi32>
    %add3A_25 = arith.addi %get3A_22, %add3A_24 : vector<16xi32>
    tpu.vector_store_idx %arg5[%add3A_25], %broadcast_in_dim3A_11 : memref<8192xf32, #tpu.memory_space<vmem>>[vector<16xi32>], vector<16xf32>,
    %get3A_26 = arith.constant 48 : index
    %get3A_27 = tpu.vector_load %arg4[%get3A_26] {strides = array<i32>} : memref<512xi32, #tpu.memory_space<vmem>>, vector<16xi32>,
    %add3A_28 = arith.constant 512 : i32
    %add3A_29 = vector.broadcast %add3A_28 : i32 to vector<16xi32>
    %add3A_30 = arith.addi %get3A_27, %add3A_29 : vector<16xi32>
    tpu.vector_store_idx %arg5[%add3A_30], %broadcast_in_dim3A_11 : memref<8192xf32, #tpu.memory_space<vmem>>[vector<16xi32>], vector<16xf32>,
    %get3A_31 = arith.constant 64 : index
    %get3A_32 = tpu.vector_load %arg4[%get3A_31] {strides = array<i32>} : memref<512xi32, #tpu.memory_space<vmem>>, vector<16xi32>,
    %add3A_33 = arith.constant 1024 : i32
    %add3A_34 = vector.broadcast %add3A_33 : i32 to vector<16xi32>
    %add3A_35 = arith.addi %get3A_32, %add3A_34 : vector<16xi32>
    tpu.vector_store_idx %arg5[%add3A_35], %broadcast_in_dim3A_11 : memref<8192xf32, #tpu.memory_space<vmem>>[vector<16xi32>], vector<16xf32>,
    %get3A_36 = arith.constant 80 : index
    %get3A_37 = tpu.vector_load %arg4[%get3A_36] {strides = array<i32>} : memref<512xi32, #tpu.memory_space<vmem>>, vector<16xi32>,
    %add3A_38 = arith.constant 1024 : i32
    %add3A_39 = vector.broadcast %add3A_38 : i32 to vector<16xi32>
    %add3A_40 = arith.addi %get3A_37, %add3A_39 : vector<16xi32>
    tpu.vector_store_idx %arg5[%add3A_40], %broadcast_in_dim3A_11 : memref<8192xf32, #tpu.memory_space<vmem>>[vector<16xi32>], vector<16xf32>,
    %get3A_41 = arith.constant 96 : index
    %get3A_42 = tpu.vector_load %arg4[%get3A_41] {strides = array<i32>} : memref<512xi32, #tpu.memory_space<vmem>>, vector<16xi32>,
    %add3A_43 = arith.constant 1536 : i32
    %add3A_44 = vector.broadcast %add3A_43 : i32 to vector<16xi32>
    %add3A_45 = arith.addi %get3A_42, %add3A_44 : vector<16xi32>
    tpu.vector_store_idx %arg5[%add3A_45], %broadcast_in_dim3A_11 : memref<8192xf32, #tpu.memory_space<vmem>>[vector<16xi32>], vector<16xf32>,
    %get3A_46 = arith.constant 112 : index
    %get3A_47 = tpu.vector_load %arg4[%get3A_46] {strides = array<i32>} : memref<512xi32, #tpu.memory_space<vmem>>, vector<16xi32>,
    %add3A_48 = arith.constant 1536 : i32
    %add3A_49 = vector.broadcast %add3A_48 : i32 to vector<16xi32>
    %add3A_50 = arith.addi %get3A_47, %add3A_49 : vector<16xi32>
    tpu.vector_store_idx %arg5[%add3A_50], %broadcast_in_dim3A_11 : memref<8192xf32, #tpu.memory_space<vmem>>[vector<16xi32>], vector<16xf32>,
    %get3A_51 = arith.constant 128 : index
    %get3A_52 = tpu.vector_load %arg4[%get3A_51] {strides = array<i32>} : memref<512xi32, #tpu.memory_space<vmem>>, vector<16xi32>,
    %add3A_53 = arith.constant 2048 : i32
    %add3A_54 = vector.broadcast %add3A_53 : i32 to vector<16xi32>
    %add3A_55 = arith.addi %get3A_52, %add3A_54 : vector<16xi32>
    tpu.vector_store_idx %arg5[%add3A_55], %broadcast_in_dim3A_11 : memref<8192xf32, #tpu.memory_space<vmem>>[vector<16xi32>], vector<16xf32>,
    %get3A_56 = arith.constant 144 : index
    %get3A_57 = tpu.vector_load %arg4[%get3A_56] {strides = array<i32>} : memref<512xi32, #tpu.memory_space<vmem>>, vector<16xi32>,
    %add3A_58 = arith.constant 2048 : i32
    %add3A_59 = vector.broadcast %add3A_58 : i32 to vector<16xi32>
    %add3A_60 = arith.addi %get3A_57, %add3A_59 : vector<16xi32>
    tpu.vector_store_idx %arg5[%add3A_60], %broadcast_in_dim3A_11 : memref<8192xf32, #tpu.memory_space<vmem>>[vector<16xi32>], vector<16xf32>,
    %get3A_61 = arith.constant 160 : index
    %get3A_62 = tpu.vector_load %arg4[%get3A_61] {strides = array<i32>} : memref<512xi32, #tpu.memory_space<vmem>>, vector<16xi32>,
    %add3A_63 = arith.constant 2560 : i32
    %add3A_64 = vector.broadcast %add3A_63 : i32 to vector<16xi32>
    %add3A_65 = arith.addi %get3A_62, %add3A_64 : vector<16xi32>
    tpu.vector_store_idx %arg5[%add3A_65], %broadcast_in_dim3A_11 : memref<8192xf32, #tpu.memory_space<vmem>>[vector<16xi32>], vector<16xf32>,
    %get3A_66 = arith.constant 176 : index
    %get3A_67 = tpu.vector_load %arg4[%get3A_66] {strides = array<i32>} : memref<512xi32, #tpu.memory_space<vmem>>, vector<16xi32>,
    %add3A_68 = arith.constant 2560 : i32
    %add3A_69 = vector.broadcast %add3A_68 : i32 to vector<16xi32>
    %add3A_70 = arith.addi %get3A_67, %add3A_69 : vector<16xi32>
    tpu.vector_store_idx %arg5[%add3A_70], %broadcast_in_dim3A_11 : memref<8192xf32, #tpu.memory_space<vmem>>[vector<16xi32>], vector<16xf32>,
    %get3A_71 = arith.constant 192 : index
    %get3A_72 = tpu.vector_load %arg4[%get3A_71] {strides = array<i32>} : memref<512xi32, #tpu.memory_space<vmem>>, vector<16xi32>,
    %add3A_73 = arith.constant 3072 : i32
    %add3A_74 = vector.broadcast %add3A_73 : i32 to vector<16xi32>
    %add3A_75 = arith.addi %get3A_72, %add3A_74 : vector<16xi32>
    tpu.vector_store_idx %arg5[%add3A_75], %broadcast_in_dim3A_11 : memref<8192xf32, #tpu.memory_space<vmem>>[vector<16xi32>], vector<16xf32>,
    %get3A_76 = arith.constant 208 : index
    %get3A_77 = tpu.vector_load %arg4[%get3A_76] {strides = array<i32>} : memref<512xi32, #tpu.memory_space<vmem>>, vector<16xi32>,
    %add3A_78 = arith.constant 3072 : i32
    %add3A_79 = vector.broadcast %add3A_78 : i32 to vector<16xi32>
    %add3A_80 = arith.addi %get3A_77, %add3A_79 : vector<16xi32>
    tpu.vector_store_idx %arg5[%add3A_80], %broadcast_in_dim3A_11 : memref<8192xf32, #tpu.memory_space<vmem>>[vector<16xi32>], vector<16xf32>,
    %get3A_81 = arith.constant 224 : index
    %get3A_82 = tpu.vector_load %arg4[%get3A_81] {strides = array<i32>} : memref<512xi32, #tpu.memory_space<vmem>>, vector<16xi32>,
    %add3A_83 = arith.constant 3584 : i32
    %add3A_84 = vector.broadcast %add3A_83 : i32 to vector<16xi32>
    %add3A_85 = arith.addi %get3A_82, %add3A_84 : vector<16xi32>
    tpu.vector_store_idx %arg5[%add3A_85], %broadcast_in_dim3A_11 : memref<8192xf32, #tpu.memory_space<vmem>>[vector<16xi32>], vector<16xf32>,
    %get3A_86 = arith.constant 240 : index
    %get3A_87 = tpu.vector_load %arg4[%get3A_86] {strides = array<i32>} : memref<512xi32, #tpu.memory_space<vmem>>, vector<16xi32>,
    %add3A_88 = arith.constant 3584 : i32
    %add3A_89 = vector.broadcast %add3A_88 : i32 to vector<16xi32>
    %add3A_90 = arith.addi %get3A_87, %add3A_89 : vector<16xi32>
    tpu.vector_store_idx %arg5[%add3A_90], %broadcast_in_dim3A_11 : memref<8192xf32, #tpu.memory_space<vmem>>[vector<16xi32>], vector<16xf32>,
    %get3A_91 = arith.constant 256 : index
    %get3A_92 = tpu.vector_load %arg4[%get3A_91] {strides = array<i32>} : memref<512xi32, #tpu.memory_space<vmem>>, vector<16xi32>,
    %add3A_93 = arith.constant 4096 : i32
    %add3A_94 = vector.broadcast %add3A_93 : i32 to vector<16xi32>
    %add3A_95 = arith.addi %get3A_92, %add3A_94 : vector<16xi32>
    tpu.vector_store_idx %arg5[%add3A_95], %broadcast_in_dim3A_11 : memref<8192xf32, #tpu.memory_space<vmem>>[vector<16xi32>], vector<16xf32>,
    %get3A_96 = arith.constant 272 : index
    %get3A_97 = tpu.vector_load %arg4[%get3A_96] {strides = array<i32>} : memref<512xi32, #tpu.memory_space<vmem>>, vector<16xi32>,
    %add3A_98 = arith.constant 4096 : i32
    %add3A_99 = vector.broadcast %add3A_98 : i32 to vector<16xi32>
    %add3A_100 = arith.addi %get3A_97, %add3A_99 : vector<16xi32>
    tpu.vector_store_idx %arg5[%add3A_100], %broadcast_in_dim3A_11 : memref<8192xf32, #tpu.memory_space<vmem>>[vector<16xi32>], vector<16xf32>,
    %get3A_101 = arith.constant 288 : index
    %get3A_102 = tpu.vector_load %arg4[%get3A_101] {strides = array<i32>} : memref<512xi32, #tpu.memory_space<vmem>>, vector<16xi32>,
    %add3A_103 = arith.constant 4608 : i32
    %add3A_104 = vector.broadcast %add3A_103 : i32 to vector<16xi32>
    %add3A_105 = arith.addi %get3A_102, %add3A_104 : vector<16xi32>
    tpu.vector_store_idx %arg5[%add3A_105], %broadcast_in_dim3A_11 : memref<8192xf32, #tpu.memory_space<vmem>>[vector<16xi32>], vector<16xf32>,
    %get3A_106 = arith.constant 304 : index
    %get3A_107 = tpu.vector_load %arg4[%get3A_106] {strides = array<i32>} : memref<512xi32, #tpu.memory_space<vmem>>, vector<16xi32>,
    %add3A_108 = arith.constant 4608 : i32
    %add3A_109 = vector.broadcast %add3A_108 : i32 to vector<16xi32>
    %add3A_110 = arith.addi %get3A_107, %add3A_109 : vector<16xi32>
    tpu.vector_store_idx %arg5[%add3A_110], %broadcast_in_dim3A_11 : memref<8192xf32, #tpu.memory_space<vmem>>[vector<16xi32>], vector<16xf32>,
    %get3A_111 = arith.constant 320 : index
    %get3A_112 = tpu.vector_load %arg4[%get3A_111] {strides = array<i32>} : memref<512xi32, #tpu.memory_space<vmem>>, vector<16xi32>,
    %add3A_113 = arith.constant 5120 : i32
    %add3A_114 = vector.broadcast %add3A_113 : i32 to vector<16xi32>
    %add3A_115 = arith.addi %get3A_112, %add3A_114 : vector<16xi32>
    tpu.vector_store_idx %arg5[%add3A_115], %broadcast_in_dim3A_11 : memref<8192xf32, #tpu.memory_space<vmem>>[vector<16xi32>], vector<16xf32>,
    %get3A_116 = arith.constant 336 : index
    %get3A_117 = tpu.vector_load %arg4[%get3A_116] {strides = array<i32>} : memref<512xi32, #tpu.memory_space<vmem>>, vector<16xi32>,
    %add3A_118 = arith.constant 5120 : i32
    %add3A_119 = vector.broadcast %add3A_118 : i32 to vector<16xi32>
    %add3A_120 = arith.addi %get3A_117, %add3A_119 : vector<16xi32>
    tpu.vector_store_idx %arg5[%add3A_120], %broadcast_in_dim3A_11 : memref<8192xf32, #tpu.memory_space<vmem>>[vector<16xi32>], vector<16xf32>,
    %get3A_121 = arith.constant 352 : index
    %get3A_122 = tpu.vector_load %arg4[%get3A_121] {strides = array<i32>} : memref<512xi32, #tpu.memory_space<vmem>>, vector<16xi32>,
    %add3A_123 = arith.constant 5632 : i32
    %add3A_124 = vector.broadcast %add3A_123 : i32 to vector<16xi32>
    %add3A_125 = arith.addi %get3A_122, %add3A_124 : vector<16xi32>
    tpu.vector_store_idx %arg5[%add3A_125], %broadcast_in_dim3A_11 : memref<8192xf32, #tpu.memory_space<vmem>>[vector<16xi32>], vector<16xf32>,
    %get3A_126 = arith.constant 368 : index
    %get3A_127 = tpu.vector_load %arg4[%get3A_126] {strides = array<i32>} : memref<512xi32, #tpu.memory_space<vmem>>, vector<16xi32>,
    %add3A_128 = arith.constant 5632 : i32
    %add3A_129 = vector.broadcast %add3A_128 : i32 to vector<16xi32>
    %add3A_130 = arith.addi %get3A_127, %add3A_129 : vector<16xi32>
    tpu.vector_store_idx %arg5[%add3A_130], %broadcast_in_dim3A_11 : memref<8192xf32, #tpu.memory_space<vmem>>[vector<16xi32>], vector<16xf32>,
    %get3A_131 = arith.constant 384 : index
    %get3A_132 = tpu.vector_load %arg4[%get3A_131] {strides = array<i32>} : memref<512xi32, #tpu.memory_space<vmem>>, vector<16xi32>,
    %add3A_133 = arith.constant 6144 : i32
    %add3A_134 = vector.broadcast %add3A_133 : i32 to vector<16xi32>
    %add3A_135 = arith.addi %get3A_132, %add3A_134 : vector<16xi32>
    tpu.vector_store_idx %arg5[%add3A_135], %broadcast_in_dim3A_11 : memref<8192xf32, #tpu.memory_space<vmem>>[vector<16xi32>], vector<16xf32>,
    %get3A_136 = arith.constant 400 : index
    %get3A_137 = tpu.vector_load %arg4[%get3A_136] {strides = array<i32>} : memref<512xi32, #tpu.memory_space<vmem>>, vector<16xi32>,
    %add3A_138 = arith.constant 6144 : i32
    %add3A_139 = vector.broadcast %add3A_138 : i32 to vector<16xi32>
    %add3A_140 = arith.addi %get3A_137, %add3A_139 : vector<16xi32>
    tpu.vector_store_idx %arg5[%add3A_140], %broadcast_in_dim3A_11 : memref<8192xf32, #tpu.memory_space<vmem>>[vector<16xi32>], vector<16xf32>,
    %get3A_141 = arith.constant 416 : index
    %get3A_142 = tpu.vector_load %arg4[%get3A_141] {strides = array<i32>} : memref<512xi32, #tpu.memory_space<vmem>>, vector<16xi32>,
    %add3A_143 = arith.constant 6656 : i32
    %add3A_144 = vector.broadcast %add3A_143 : i32 to vector<16xi32>
    %add3A_145 = arith.addi %get3A_142, %add3A_144 : vector<16xi32>
    tpu.vector_store_idx %arg5[%add3A_145], %broadcast_in_dim3A_11 : memref<8192xf32, #tpu.memory_space<vmem>>[vector<16xi32>], vector<16xf32>,
    %get3A_146 = arith.constant 432 : index
    %get3A_147 = tpu.vector_load %arg4[%get3A_146] {strides = array<i32>} : memref<512xi32, #tpu.memory_space<vmem>>, vector<16xi32>,
    %add3A_148 = arith.constant 6656 : i32
    %add3A_149 = vector.broadcast %add3A_148 : i32 to vector<16xi32>
    %add3A_150 = arith.addi %get3A_147, %add3A_149 : vector<16xi32>
    tpu.vector_store_idx %arg5[%add3A_150], %broadcast_in_dim3A_11 : memref<8192xf32, #tpu.memory_space<vmem>>[vector<16xi32>], vector<16xf32>,
    %get3A_151 = arith.constant 448 : index
    %get3A_152 = tpu.vector_load %arg4[%get3A_151] {strides = array<i32>} : memref<512xi32, #tpu.memory_space<vmem>>, vector<16xi32>,
    %add3A_153 = arith.constant 7168 : i32
    %add3A_154 = vector.broadcast %add3A_153 : i32 to vector<16xi32>
    %add3A_155 = arith.addi %get3A_152, %add3A_154 : vector<16xi32>
    tpu.vector_store_idx %arg5[%add3A_155], %broadcast_in_dim3A_11 : memref<8192xf32, #tpu.memory_space<vmem>>[vector<16xi32>], vector<16xf32>,
    %get3A_156 = arith.constant 464 : index
    %get3A_157 = tpu.vector_load %arg4[%get3A_156] {strides = array<i32>} : memref<512xi32, #tpu.memory_space<vmem>>, vector<16xi32>,
    %add3A_158 = arith.constant 7168 : i32
    %add3A_159 = vector.broadcast %add3A_158 : i32 to vector<16xi32>
    %add3A_160 = arith.addi %get3A_157, %add3A_159 : vector<16xi32>
    tpu.vector_store_idx %arg5[%add3A_160], %broadcast_in_dim3A_11 : memref<8192xf32, #tpu.memory_space<vmem>>[vector<16xi32>], vector<16xf32>,
    %get3A_161 = arith.constant 480 : index
    %get3A_162 = tpu.vector_load %arg4[%get3A_161] {strides = array<i32>} : memref<512xi32, #tpu.memory_space<vmem>>, vector<16xi32>,
    %add3A_163 = arith.constant 7680 : i32
    %add3A_164 = vector.broadcast %add3A_163 : i32 to vector<16xi32>
    %add3A_165 = arith.addi %get3A_162, %add3A_164 : vector<16xi32>
    tpu.vector_store_idx %arg5[%add3A_165], %broadcast_in_dim3A_11 : memref<8192xf32, #tpu.memory_space<vmem>>[vector<16xi32>], vector<16xf32>,
    %get3A_166 = arith.constant 496 : index
    %get3A_167 = tpu.vector_load %arg4[%get3A_166] {strides = array<i32>} : memref<512xi32, #tpu.memory_space<vmem>>, vector<16xi32>,
    %add3A_168 = arith.constant 7680 : i32
    %add3A_169 = vector.broadcast %add3A_168 : i32 to vector<16xi32>
    %add3A_170 = arith.addi %get3A_167, %add3A_169 : vector<16xi32>
    tpu.vector_store_idx %arg5[%add3A_170], %broadcast_in_dim3A_11 : memref<8192xf32, #tpu.memory_space<vmem>>[vector<16xi32>], vector<16xf32>,
    %mul3A_171 = arith.constant 8192 : i32
    %mul3A_172 = arith.muli %add3A, %mul3A_171 : i32
    "tpu.region"() ({
      %run_scoped3A = tpu.sem_alloc : memref<!tpu.dma_semaphore, #tpu.memory_space<semaphore_mem>>
      %dma_start3A = tpu.memref_slice %arg3[%mul3A_172] : memref<262144xf32, #tpu.memory_space<hbm>> -> memref<8192xf32, #tpu.memory_space<hbm>>
      %dma_start3A_173 = tpu.memref_slice %arg3[%mul3A_172] : memref<262144xf32, #tpu.memory_space<hbm>> -> memref<8192xf32, #tpu.memory_space<hbm>>
      tpu.enqueue_dma source(%arg5 : memref<8192xf32, #tpu.memory_space<vmem>>) target(%dma_start3A_173 : memref<8192xf32, #tpu.memory_space<hbm>>) target_semaphore(%run_scoped3A : memref<!tpu.dma_semaphore, #tpu.memory_space<semaphore_mem>>)
      %dma_wait3A = tpu.memref_slice %arg3[%mul3A_172] : memref<262144xf32, #tpu.memory_space<hbm>> -> memref<8192xf32, #tpu.memory_space<hbm>>
      %dma_wait3A_174 = tpu.memref_slice %arg3[%mul3A_172] : memref<262144xf32, #tpu.memory_space<hbm>> -> memref<8192xf32, #tpu.memory_space<hbm>>
      tpu.wait_dma2 semaphore(%run_scoped3A : memref<!tpu.dma_semaphore, #tpu.memory_space<semaphore_mem>>) src(%arg5 : memref<8192xf32, #tpu.memory_space<vmem>>) dst(%dma_wait3A_174 : memref<8192xf32, #tpu.memory_space<hbm>>)
      tpu.yield
    }) : () -> ()
    return
  }
}

module attributes {stable_mosaic.version = 14 : i64} {
  func.func @_agg_kernel(%arg0: i32, %arg1: memref<512x512xf32, #tpu.memory_space<vmem>>, %arg2: memref<1x512xi32, #tpu.memory_space<vmem>>, %arg3: memref<1024x512xf32, #tpu.memory_space<vmem>>, %arg4: memref<1024x512xf32, #tpu.memory_space<vmem>>, %arg5: memref<1024x2x512xf32, #tpu.memory_space<vmem>>) attributes {dimension_semantics = [#tpu.dimension_semantics<arbitrary>], iteration_bounds = array<i64: 4>, scalar_prefetch = 0 : i64, scratch_operands = 0 : i64, tpu.core_type = #tpu.core_type<tc>, window_params = [{pipeline_mode = #tpu.pipeline_mode<synchronous>, transform_indices = @transform_0, window_bounds = array<i64: 512, 512>}, {pipeline_mode = #tpu.pipeline_mode<synchronous>, transform_indices = @transform_1, window_bounds = array<i64: 1, 512>}, {transform_indices = @transform_2, window_bounds = array<i64: 1024, 512>}, {transform_indices = @transform_3, window_bounds = array<i64: 1024, 512>}, {transform_indices = @transform_4, window_bounds = array<i64: 1024, 2, 512>}]} {
    %get3A = arith.constant 0 : index
    %get3A_0 = arith.constant 0 : index
    %get3A_1 = vector.load %arg3[%get3A, %get3A_0] : memref<1024x512xf32, #tpu.memory_space<vmem>>, vector<1024x512xf32>
    %get3A_2 = arith.constant 0 : index
    %get3A_3 = arith.constant 0 : index
    %get3A_4 = vector.load %arg1[%get3A_2, %get3A_3] : memref<512x512xf32, #tpu.memory_space<vmem>>, vector<512x512xf32>
    %dot_general3A = arith.constant dense<0.000000e+00> : vector<1024x512xf32>
    %dot_general3A_5 = tpu.matmul %get3A_1, %get3A_4, %dot_general3A {dimension_numbers = #tpu.dot_dimension_numbers<[1], [1], [0], [0], [0, 0, 1, 0], [], []>, transpose_lhs_hint = false} : vector<1024x512xf32>, vector<512x512xf32>, vector<1024x512xf32> -> vector<1024x512xf32>
    %mul3A = arith.constant 3.125000e-02 : f32
    %mul3A_6 = vector.broadcast %mul3A : f32 to vector<1024x512xf32>
    %mul3A_7 = arith.mulf %dot_general3A_5, %mul3A_6 : vector<1024x512xf32>
    %get3A_8 = arith.constant 0 : index
    %get3A_9 = arith.constant 0 : index
    %get3A_10 = vector.load %arg2[%get3A_8, %get3A_9] : memref<1x512xi32, #tpu.memory_space<vmem>>, vector<1x512xi32>
    %get3A_11 = vector.shape_cast %get3A_10 : vector<1x512xi32> to vector<512xi32>
    %eq3A = arith.constant 0 : i32
    %eq3A_12 = vector.broadcast %eq3A : i32 to vector<512xi32>
    %eq3A_13 = arith.cmpi eq, %get3A_11, %eq3A_12 : vector<512xi32>
    %broadcast_in_dim3A = vector.shape_cast %eq3A_13 : vector<512xi1> to vector<1x512xi1>
    %broadcast_in_dim3A_14 = vector.shape_cast %broadcast_in_dim3A : vector<1x512xi1> to vector<1x512xi1>
    %broadcast_in_dim3A_15 = vector.broadcast %broadcast_in_dim3A_14 : vector<1x512xi1> to vector<1024x512xi1>
    %select_n3A = arith.select %broadcast_in_dim3A_15, %dot_general3A_5, %mul3A_7 : vector<1024x512xi1>, vector<1024x512xf32>
    %swap3A = arith.constant 0 : index
    %swap3A_16 = arith.constant 0 : index
    %swap3A_17 = vector.load %arg4[%swap3A, %swap3A_16] : memref<1024x512xf32, #tpu.memory_space<vmem>>, vector<1024x512xf32>
    tpu.vector_store %arg4[%swap3A, %swap3A_16], %select_n3A {strides = array<i32>} : memref<1024x512xf32, #tpu.memory_space<vmem>>, vector<1024x512xf32>,
    %swap3A_18 = arith.constant 0 : index
    %swap3A_19 = arith.constant 0 : index
    %swap3A_20 = arith.constant 0 : index
    %swap3A_21 = vector.load %arg5[%swap3A_18, %swap3A_19, %swap3A_20] : memref<1024x2x512xf32, #tpu.memory_space<vmem>>, vector<1024x1x512xf32>
    %swap3A_22 = vector.shape_cast %swap3A_21 : vector<1024x1x512xf32> to vector<1024x512xf32>
    %swap3A_23 = vector.shape_cast %dot_general3A_5 : vector<1024x512xf32> to vector<1024x1x512xf32>
    tpu.vector_store %arg5[%swap3A_18, %swap3A_19, %swap3A_20], %swap3A_23 {strides = array<i32>} : memref<1024x2x512xf32, #tpu.memory_space<vmem>>, vector<1024x1x512xf32>,
    %swap3A_24 = arith.constant 0 : index
    %swap3A_25 = arith.constant 1 : index
    %swap3A_26 = arith.constant 0 : index
    %swap3A_27 = vector.load %arg5[%swap3A_24, %swap3A_25, %swap3A_26] : memref<1024x2x512xf32, #tpu.memory_space<vmem>>, vector<1024x1x512xf32>
    %swap3A_28 = vector.shape_cast %swap3A_27 : vector<1024x1x512xf32> to vector<1024x512xf32>
    %swap3A_29 = vector.shape_cast %mul3A_7 : vector<1024x512xf32> to vector<1024x1x512xf32>
    tpu.vector_store %arg5[%swap3A_24, %swap3A_25, %swap3A_26], %swap3A_29 {strides = array<i32>} : memref<1024x2x512xf32, #tpu.memory_space<vmem>>, vector<1024x1x512xf32>,
    return
  }
  func.func @transform_0(%arg0: i32) -> (i32, i32) {
    %c0_i32 = arith.constant 0 : i32
    %c0_i32_0 = arith.constant 0 : i32
    %c0_i32_1 = arith.constant 0 : i32
    return %c0_i32, %c0_i32_0 : i32, i32
  }
  func.func @transform_1(%arg0: i32) -> (i32, i32) {
    %c0_i32 = arith.constant 0 : i32
    %c0_i32_0 = arith.constant 0 : i32
    %c0_i32_1 = arith.constant 0 : i32
    return %c0_i32, %c0_i32_0 : i32, i32
  }
  func.func @transform_2(%arg0: i32) -> (i32, i32) {
    %c0_i32 = arith.constant 0 : i32
    %c0_i32_0 = arith.constant 0 : i32
    return %arg0, %c0_i32 : i32, i32
  }
  func.func @transform_3(%arg0: i32) -> (i32, i32) {
    %c0_i32 = arith.constant 0 : i32
    %c0_i32_0 = arith.constant 0 : i32
    return %arg0, %c0_i32 : i32, i32
  }
  func.func @transform_4(%arg0: i32) -> (i32, i32, i32) {
    %c0_i32 = arith.constant 0 : i32
    %c0_i32_0 = arith.constant 0 : i32
    %c0_i32_1 = arith.constant 0 : i32
    return %arg0, %c0_i32, %c0_i32_0 : i32, i32, i32
  }
}

</mosaic_0001>

<sc_bundles>
// kernel: kernel.4.cloned.1.call-start
scs
__scs_entry_jumppad:
0x0: {  	(pc) =	sbr.rel $0x88, $3  }
0x1: {  	(tag) =	ssettag $0x0;
	lr =	simm.s32 $0x1  }
0x2: {  	[smem:$0x3F9E] =	sst lr;
	_ =	strace $0xD0000000  }
0x3: {  	_ = 	snop  }
0x4: {  	_ = 	snop  }
0x5: {  	_ = 	snop  }
0x6: {  	_ = 	snop  }
0x7: {  	_ = 	snop  }
__scs_overlays_trampoline_lowered:
0x8: {  	[smem:$0x3FAD] =	sst s0  }
0x9: {  	[smem:$0x3FAE] =	sst s1  }
0xa: {  	[smem:$0x3FAF] =	sst s2  }
0xb: {  	[smem:$0x3FB0] =	sst s3  }
0xc: {  	[smem:$0x3FB1] =	sst s4  }
0xd: {  	[smem:$0x3FB2] =	sst s5  }
0xe: {  	[smem:$0x3FB3] =	sst s6  }
0xf: {  	[smem:$0x3FB4] =	sst s7  }
0x10: {  	[smem:$0x3FB5] =	sst s8  }
0x11: {  	[smem:$0x3FB6] =	sst s9;
	s0 =	simm.s32 @!p0 $0x0  }
0x12: {  	s1 =	sld [smem:$0x3F9C];
	s0 =	simm.s32 @p0 $0x1  }
0x13: {  	[smem:$0x3FB7] =	sst s0;
	s0 =	simm.s32 @!p1 $0x0  }
0x14: {  	s2 =	sld [smem:$0x3F9B];
	s0 =	simm.s32 @p1 $0x1  }
0x15: {  	[smem:$0x3FB8] =	sst s0;
	s0 =	simm.s32 @!p2 $0x0  }
0x16: {  	s3 =	sld [smem:$0x3FDB];
	s0 =	simm.s32 @p2 $0x1  }
0x17: {  	s4 =	simm.s32 $0x1BF5;
	[smem:$0x3FBA] =	sst s0  }
0x18: {  	s0 =	sld [smem:$0x3F9D];
	_ =	swait.ge [sflag:s4], $0x0  }
0x19: {  	s7 =	sld [smem:$0x3F9E]  }
0x1a: {  	s8 =	sadd.s32 $0xFFFFE003, lr  }
0x1b: {  	s9 =	sadd.s32 $0xFFFFFEF7, lr;
	s5 =	simm.s32 $0xFFFFFFFF;
	p2 =	slt.u32 s8, $0xFFFFF086  }
0x1c: {  	p1 =	slt.u32 s9, $0xF7A;
	s5 =	simm.s32 @!p2 $0x0  }
0x1d: {  	s5 =	simm.s32 @p1 $0x1;
	p0 =	seq.s32 s7, s2  }
0x1e: {  	s7 =	smul.u32 @!p0 $0xF7A, s2;
	p2 =	seq.s32 @!p0 s5, $0x0  }
0x1f: {  	s9 =	smul.u32 $0xF7A, s1;
	s8 =	simm.s32 @!p0 $0x1BF5;
	p2 =	por !p2, p0  }
0x20: {  	[sflag:s8] =	ssyncset.s32 @!p0 $0xFFFFF086;
	s6 =	sadd.s32 @!p0 s3, s7;
	s7 =	simm.s32 @!p0 $0x108  }
0x21: {  	s3 =	sadd.s32 s3, s9;
	s6 =	sadd.s32 @!p0 $0x88, s6;
	s7 =	simm.s32 @p2 $0x1082  }
0x22: {  	[simem:s7], [sflag:s8] =	dma.local @!p0 [hbm:s6], $0xF7A  }
0x23: {  	s9 =	sor.u32 $0xD0000000, s2;
	s6 =	simm.s32 $0x108;
	_ =	swait.ge @!p0 [sflag:s8], $0x0  }
0x24: {  	s3 =	sadd.s32 $0x88, s3;
	s6 =	simm.s32 @!p1 $0x1082;
	[sflag:s4] =	ssyncset.s32 $0xFFFFF086  }
0x25: {  	[simem:s6], [sflag:s4] =	dma.local [hbm:s3], $0xF7A  }
0x26: {  	[smem:$0x3F9E] =	sst s1;
	(tag) =	ssettag s2;
	_ =	strace s9  }
0x27: {  	s1 =	sld [smem:$0x3FAE]  }
0x28: {  	s2 =	sld [smem:$0x3FAF]  }
0x29: {  	s4 =	sld [smem:$0x3FB1]  }
0x2a: {  	p0 =	seq.s32 s5, $0x0;
	s5 =	sld [smem:$0x3FB2]  }
0x2b: {  	s6 =	sld [smem:$0x3FB3]  }
0x2c: {  	s7 =	sld [smem:$0x3FB4]  }
0x2d: {  	s3 =	simm.s32 $0x108;
	s8 =	sld [smem:$0x3FB5]  }
0x2e: {  	s3 =	simm.s32 @!p0 $0x1082;
	s9 =	sld [smem:$0x3FB6]  }
0x2f: {  	lr =	sadd.s32 s0, s3;
	s0 =	sld [smem:$0x3FAD]  }
0x30: {  	s3 =	sld [smem:$0x3FB0]  }
0x31: {  	[smem:$0x3FB9] =	sst s10  }
0x32: {  	s10 =	sld [smem:$0x3FB7];
	_ =	sdelay $0x3  }
0x33: {  	p0 =	seq.s32 s10, $0x1;
	s10 =	sld [smem:$0x3FB9];
	_ =	sdelay $0x3  }
0x34: {  	[smem:$0x3FB9] =	sst s10  }
0x35: {  	s10 =	sld [smem:$0x3FB8];
	_ =	sdelay $0x3  }
0x36: {  	p1 =	seq.s32 s10, $0x1;
	s10 =	sld [smem:$0x3FB9];
	_ =	sdelay $0x3  }
0x37: {  	[smem:$0x3FB9] =	sst s10  }
0x38: {  	s10 =	sld [smem:$0x3FBA]  }
0x39: {  	_ = 	snop;
	(pc) =	sbr.ind lr, $3  }
0x3a: {  	_ = 	snop  }
0x3b: {  	_ = 	snop  }
0x3c: {  	p2 =	seq.s32 s10, $0x1;
	s10 =	sld [smem:$0x3FB9]  }
0x3d: {  	_ =	shalt  }
0x3e: {  	_ =	shalt  }
0x3f: {  	_ =	shalt  }
0x40: {  	_ =	shalt  }
0x41: {  	_ =	shalt  }
0x42: {  	_ =	shalt  }
0x43: {  	_ =	shalt  }
0x44: {  	_ =	shalt  }
0x45: {  	_ =	shalt  }
0x46: {  	_ =	shalt  }
0x47: {  	_ =	shalt  }
0x48: {  	_ =	shalt  }
0x49: {  	_ =	shalt  }
0x4a: {  	_ =	shalt  }
0x4b: {  	_ =	shalt  }
0x4c: {  	_ =	shalt  }
0x4d: {  	_ =	shalt  }
0x4e: {  	_ =	shalt  }
0x4f: {  	_ =	shalt  }
0x50: {  	_ =	shalt  }
0x51: {  	_ =	shalt  }
0x52: {  	_ =	shalt  }
0x53: {  	_ =	shalt  }
0x54: {  	_ =	shalt  }
0x55: {  	_ =	shalt  }
0x56: {  	_ =	shalt  }
0x57: {  	_ =	shalt  }
0x58: {  	_ =	shalt  }
0x59: {  	_ =	shalt  }
0x5a: {  	_ =	shalt  }
0x5b: {  	_ =	shalt  }
0x5c: {  	_ =	shalt  }
0x5d: {  	_ =	shalt  }
0x5e: {  	_ =	shalt  }
0x5f: {  	_ =	shalt  }
0x60: {  	_ =	shalt  }
0x61: {  	_ =	shalt  }
0x62: {  	_ =	shalt  }
0x63: {  	_ =	shalt  }
0x64: {  	_ =	shalt  }
0x65: {  	_ =	shalt  }
0x66: {  	_ =	shalt  }
0x67: {  	_ =	shalt  }
0x68: {  	_ =	shalt  }
0x69: {  	_ =	shalt  }
0x6a: {  	_ =	shalt  }
0x6b: {  	_ =	shalt  }
0x6c: {  	_ =	shalt  }
0x6d: {  	_ =	shalt  }
0x6e: {  	_ =	shalt  }
0x6f: {  	_ =	shalt  }
0x70: {  	_ =	shalt  }
0x71: {  	_ =	shalt  }
0x72: {  	_ =	shalt  }
0x73: {  	_ =	shalt  }
0x74: {  	_ =	shalt  }
0x75: {  	_ =	shalt  }
0x76: {  	_ =	shalt  }
0x77: {  	_ =	shalt  }
0x78: {  	_ =	shalt  }
0x79: {  	_ =	shalt  }
0x7a: {  	_ =	shalt  }
0x7b: {  	_ =	shalt  }
0x7c: {  	_ =	shalt  }
0x7d: {  	_ =	shalt  }
0x7e: {  	_ =	shalt  }
0x7f: {  	_ =	shalt  }
0x80: {  	_ =	shalt  }
0x81: {  	_ =	shalt  }
0x82: {  	_ =	shalt  }
0x83: {  	_ =	shalt  }
0x84: {  	_ =	shalt  }
0x85: {  	_ =	shalt  }
0x86: {  	_ =	shalt  }
0x87: {  	_ =	shalt  }
.Lfunc_end0:
.L_simem_size_0:
called_computation_lowered:
.L_overlay_start_0:
0x88: {  	s2 =	sld [smem:$0x3FD9]  }
0x89: {  	s3 =	sld [smem:$0x3FFE];
	_ =	sdelay $0x1  }
0x8a: {  	s1 =	srdreg.scid  }
0x8b: {  	s0 =	sand.u32 $0x1, s1  }
0x8c: {  	s15 =	sshll.u32 s0, $0xA;
	s2 =	sadd.s32 s3, s2  }
0x8d: {  	s2 =	sadd.s32 s2, s15  }
0x8e: {  	[smem:$0x3FC5] =	sst s2  }
0x8f: {  	_ = 	snop  }
0x90: {  	s2 =	sld [smem:$0x3FD0];
	_ =	sdelay $0x2  }
0x91: {  	s16 =	simm.s32 $0xA;
	s4 =	simm.s32 $0x10  }
0x92: {  	[smem:s4], [sflag:s16] =	dma.local [hbm:s2], $0x1  }
0x93: {  	_ =	swait.eq [sflag:s16], $0x1  }
0x94: {  	[sflag:s16] =	ssyncset.done $0x0  }
0x95: {  	s17 =	sld [smem:$0x10];
	[sflag:s16] =	ssyncadd.s32 $0xFFFFFFFF  }
0x96: {  	s18 =	sld [smem:$0x11];
	(tm) =	ssettm $0x1  }
0x97: {  	s19 =	sld [smem:$0x3FFB];
	_ =	sdelay $0x3  }
0x98: {  	_ =	strace s19  }
0x99: {  	s4 =	sld [smem:$0x3FFC];
	_ =	sdelay $0x3  }
0x9a: {  	_ =	strace s4  }
0x9b: {  	s4 =	sld [smem:$0x3FFD];
	_ =	sdelay $0x3  }
0x9c: {  	_ =	strace s4  }
0x9d: {  	_ =	strace $0x8FFFFFFF  }
0x9e: {  	s20 =	sld [smem:$0x3FDB];
	_ =	sdelay $0x1  }
0x9f: {  	s5 =	simm.s32 $_scs_section_size  }
0xa0: {  	s6 =	simm.s32 $_size__tile_overlayer_lowered;
	s7 =	simm.s32 $_tile_overlayer_lowered  }
0xa1: {  	s23 =	simm.s32 $0x1BFF;
	s22 =	sshll.u32 s7, $0x1;
	s4 =	sadd.s32 s5, s20  }
0xa2: {  	s8 =	simm.s32 $0x0;
	s21 =	sshll.u32 s6, $0x1;
	s6 =	sadd.s32 s22, s4  }
0xa3: {  	[timem:s8], [sflag:s23] =	dma.local [hbm:s6], s21  }
0xa4: {  	_ =	swait.ge [sflag:s23], s21  }
0xa5: {  	s5 =	ssub.s32 $0x0, s21;
	[sflag:s23] =	ssyncset.done $0x0  }
0xa6: {  	[sflag:s23] =	ssyncadd.s32 s5;
	_ =	sdelay $0x1  }
0xa7: {  	s24 =	simm.s32 $0x1B8B  }
0xa8: {  	_ =	swait.ge [sflag:s24], $0x1  }
0xa9: {  	[sflag:s24] =	ssyncset.done $0x0  }
0xaa: {  	s25 =	simm.s32 $0x1B8E;
	[sflag:s24] =	ssyncadd.s32 $0xFFFFFFFF  }
0xab: {  	s26 =	simm.s32 $execute0_lowered;
	[smem:$0x3FD2] =	sst s25  }
0xac: {  	s5 =	sshll.u32 s26, $0x1;
	_ =	strace $0x80000046;
	[dreg:$0x1] =	wrdreg $0xFFFFFFFF  }
0xad: {  	s28 =	simm.s32 $_size_execute0_lowered;
	s4 =	sadd.s32 s4, s5;
	[dreg:$0x0] =	wrdreg $0x0  }
0xae: {  	s5 =	sshll.u32 s28, $0x1;
	[dreg:$0x2] =	wrdreg s4  }
0xaf: {  	[dreg:$0x3] =	wrdreg s5  }
0xb0: {  	[dreg:$0x4] =	wrdreg $0xC0  }
0xb1: {  	_ =	task [dreg:s8], $0x5FFFF  }
0xb2: {  	[dreg:$0x1] =	wrdreg $0xFFFFFFFF  }
0xb3: {  	[dreg:$0x0] =	wrdreg $0x60  }
0xb4: {  	[dreg:$0x2] =	wrdreg s18  }
0xb5: {  	[dreg:$0x3] =	wrdreg s17  }
0xb6: {  	[dreg:$0x4] =	wrdreg $0x9  }
0xb7: {  	_ =	task.clear_ibuf [dreg:s8], $0x5FFFF;
	_ =	strace $0x90000046  }
0xb8: {  	s29 =	simm.s32 $0x9;
	_ =	strace $0x80000048  }
0xb9: {  	_ =	swait.ge [sflag:s29], $0x1  }
0xba: {  	[sflag:s29] =	ssyncadd.s32 $0xFFFFFFFF  }
0xbb: {  	_ =	strace $0x90000048  }
0xbc: {  	_ =	sfence  }
0xbd: {  	s30 =	sld [smem:$0x0];
	_ =	sdelay $0x2  }
0xbe: {  	s31 =	sshll.u32 s1, $0xD;
	s1 =	sshrl.u32 s1, $0x2  }
0xbf: {  	s3 =	sand.u32 $0x4000, s31;
	s1 =	sadd.s32 s1, s30  }
0xc0: {  	s0 =	sor.u32 s3, s0;
	s1 =	sshll.u32 s1, $0x11  }
0xc1: {  	s0 =	sor.u32 s1, s0  }
0xc2: {  	s0 =	sadd.s32 $0x8F2B, s0  }
0xc3: {  	[sflag:s0] =	ssyncadd.remote.s32 $0x1  }
0xc4: {  	_ =	sfence.sel $0xFFFF  }
0xc5: {  	[dreg:$0x0] =	wrdreg $0xFFFFFFFF;
	(pc) =	sbr.abs _section_cstart, $3  }
0xc6: {  	[dreg:$0x1] =	wrdreg $0xFFFFFFFF  }
0xc7: {  	_ =	task.clear_ibuf [dreg:s8], $0x2FFFF;
	_ =	strace $0x9FFFFFFF  }
0xc8: {  	(tm) =	ssettm $0x7FFFFFFF  }
0xc9: {  	_ =	shalt  }
tec
execute0_lowered:
.L_overlay_start_1:
0x0: {  	(tag) =	ssettag $0x1  }
0x1: {  	s3 =	rddreg [dreg:$0x0]  }
0x2: {  	s4 =	rddreg [dreg:$0x1]  }
0x3: {  	s0 =	rddreg [dreg:$0x2];
	s5 =	srdreg.scid  }
0x4: {  	s2 =	simm.s32 $0x0;
	s1 =	stileid.u32;
	s5 =	sand.u32 $0x1, s5  }
0x5: {  	[smem:$0x7FF] =	sst s2;
	s7 =	sshll.u32 s1, $0x1;
	s6 =	ssub.s32 $0x2, s5  }
0x6: {  	_ =	strace $0x80000047;
	s5 =	sor.u32 s5, s7;
	s8 =	sshrl.u32 s6, $0x1  }
0x7: {  	s7 =	sshll.u32 s5, $0x6;
	s5 =	sshll.u32 s5, $0xA;
	s6 =	ssub.s32 s6, s8  }
0x8: {  	s3 =	sadd.s32 s3, s7;
	s4 =	sadd.s32 s4, s5;
	s7 =	simm.s32 $0x200  }
0x9: {  	v0 =	vimm.f32 $0.0e+00;
	v1 =	vimm.f32 $1.000000000e+00;
	s8 =	simm.s32 $0x0;
	s5 =	smax.u32 s6, $0x1;
	s6 =	simm.s32 $0x1  }
.LBB2_1:
0xa: {  	[tilespmem:s2], [sflag:$0x1] =	stream.linear.gather [hbm4b:s3+s2], $0x200, $0x38;
	[tilespmem:$0x2200] =	vst v63  }
0xb: {  	_ =	swait.ge [sflag:s6], $0x200  }
0xc: {  	[sflag:s6] =	ssyncset.done $0x0  }
0xd: {  	s9 =	simm.s32 $0x40;
	s10 =	simm.s32 $0x0;
	[sflag:s6] =	ssyncadd.s32 $0xFFFFFE00  }
.LBB2_2:
0xe: {  	p0 =	sne.s32 s9, $0x7FC0;
	[tilespmem:s10+$0x200] =	vst v0;
	s10 =	smov.u32 s9;
	s9 =	sadd.s32 $0x40, s9  }
.Ltmp0:
0xf: {  	(pc) =	sbr.rel @p0 .LBB2_2-.Ltmp0, $2  }
0x10: {  	_ =	sdelay $0x2  }
0x11: {  	s10 =	sshra.s32 s10, $0x2  }
0x12: {  	[tilespmem:s10+$0x200] =	vst v0  }
0x13: {  	v2 =	vld [tilespmem:$0x0];
	_ =	sdelay $0x7  }
0x14: {  	[tilespmem:v2+s7+$0x0] =	vst.idx.msk $0xffff, v1  }
0x15: {  	v2 =	vld [tilespmem:$0x10];
	_ =	sdelay $0x7  }
0x16: {  	[tilespmem:v2+s7+$0x0] =	vst.idx.msk $0xffff, v1  }
0x17: {  	v2 =	vld [tilespmem:$0x20];
	_ =	sdelay $0x4  }
0x18: {  	v2 =	vadd.s32 $0x200, v2;
	_ =	sdelay $0x4  }
0x19: {  	[tilespmem:v2+s7+$0x0] =	vst.idx.msk $0xffff, v1  }
0x1a: {  	v2 =	vld [tilespmem:$0x30];
	_ =	sdelay $0x4  }
0x1b: {  	v2 =	vadd.s32 $0x200, v2;
	_ =	sdelay $0x4  }
0x1c: {  	[tilespmem:v2+s7+$0x0] =	vst.idx.msk $0xffff, v1  }
0x1d: {  	v2 =	vld [tilespmem:$0x40];
	_ =	sdelay $0x4  }
0x1e: {  	v2 =	vadd.s32 $0x400, v2;
	_ =	sdelay $0x4  }
0x1f: {  	[tilespmem:v2+s7+$0x0] =	vst.idx.msk $0xffff, v1  }
0x20: {  	v2 =	vld [tilespmem:$0x50];
	_ =	sdelay $0x4  }
0x21: {  	v2 =	vadd.s32 $0x400, v2;
	_ =	sdelay $0x4  }
0x22: {  	[tilespmem:v2+s7+$0x0] =	vst.idx.msk $0xffff, v1  }
0x23: {  	v2 =	vld [tilespmem:$0x60];
	_ =	sdelay $0x4  }
0x24: {  	v2 =	vadd.s32 $0x600, v2;
	_ =	sdelay $0x4  }
0x25: {  	[tilespmem:v2+s7+$0x0] =	vst.idx.msk $0xffff, v1  }
0x26: {  	v2 =	vld [tilespmem:$0x70];
	_ =	sdelay $0x4  }
0x27: {  	v2 =	vadd.s32 $0x600, v2;
	_ =	sdelay $0x4  }
0x28: {  	[tilespmem:v2+s7+$0x0] =	vst.idx.msk $0xffff, v1  }
0x29: {  	v2 =	vld [tilespmem:$0x80];
	_ =	sdelay $0x4  }
0x2a: {  	v2 =	vadd.s32 $0x800, v2;
	_ =	sdelay $0x4  }
0x2b: {  	[tilespmem:v2+s7+$0x0] =	vst.idx.msk $0xffff, v1  }
0x2c: {  	v2 =	vld [tilespmem:$0x90];
	_ =	sdelay $0x4  }
0x2d: {  	v2 =	vadd.s32 $0x800, v2;
	_ =	sdelay $0x4  }
0x2e: {  	[tilespmem:v2+s7+$0x0] =	vst.idx.msk $0xffff, v1  }
0x2f: {  	v2 =	vld [tilespmem:$0xA0];
	_ =	sdelay $0x4  }
0x30: {  	v2 =	vadd.s32 $0xA00, v2;
	_ =	sdelay $0x4  }
0x31: {  	[tilespmem:v2+s7+$0x0] =	vst.idx.msk $0xffff, v1  }
0x32: {  	v2 =	vld [tilespmem:$0xB0];
	_ =	sdelay $0x4  }
0x33: {  	v2 =	vadd.s32 $0xA00, v2;
	_ =	sdelay $0x4  }
0x34: {  	[tilespmem:v2+s7+$0x0] =	vst.idx.msk $0xffff, v1  }
0x35: {  	v2 =	vld [tilespmem:$0xC0];
	_ =	sdelay $0x4  }
0x36: {  	v2 =	vadd.s32 $0xC00, v2;
	_ =	sdelay $0x4  }
0x37: {  	[tilespmem:v2+s7+$0x0] =	vst.idx.msk $0xffff, v1  }
0x38: {  	v2 =	vld [tilespmem:$0xD0];
	_ =	sdelay $0x4  }
0x39: {  	v2 =	vadd.s32 $0xC00, v2;
	_ =	sdelay $0x4  }
0x3a: {  	[tilespmem:v2+s7+$0x0] =	vst.idx.msk $0xffff, v1  }
0x3b: {  	v2 =	vld [tilespmem:$0xE0];
	_ =	sdelay $0x4  }
0x3c: {  	v2 =	vadd.s32 $0xE00, v2;
	_ =	sdelay $0x4  }
0x3d: {  	[tilespmem:v2+s7+$0x0] =	vst.idx.msk $0xffff, v1  }
0x3e: {  	v2 =	vld [tilespmem:$0xF0];
	_ =	sdelay $0x4  }
0x3f: {  	v2 =	vadd.s32 $0xE00, v2;
	_ =	sdelay $0x4  }
0x40: {  	[tilespmem:v2+s7+$0x0] =	vst.idx.msk $0xffff, v1  }
0x41: {  	v2 =	vld [tilespmem:$0x100];
	_ =	sdelay $0x4  }
0x42: {  	v2 =	vadd.s32 $0x1000, v2;
	_ =	sdelay $0x4  }
0x43: {  	[tilespmem:v2+s7+$0x0] =	vst.idx.msk $0xffff, v1  }
0x44: {  	v2 =	vld [tilespmem:$0x110];
	_ =	sdelay $0x4  }
0x45: {  	v2 =	vadd.s32 $0x1000, v2;
	_ =	sdelay $0x4  }
0x46: {  	[tilespmem:v2+s7+$0x0] =	vst.idx.msk $0xffff, v1  }
0x47: {  	v2 =	vld [tilespmem:$0x120];
	_ =	sdelay $0x4  }
0x48: {  	v2 =	vadd.s32 $0x1200, v2;
	_ =	sdelay $0x4  }
0x49: {  	[tilespmem:v2+s7+$0x0] =	vst.idx.msk $0xffff, v1  }
0x4a: {  	v2 =	vld [tilespmem:$0x130];
	_ =	sdelay $0x4  }
0x4b: {  	v2 =	vadd.s32 $0x1200, v2;
	_ =	sdelay $0x4  }
0x4c: {  	[tilespmem:v2+s7+$0x0] =	vst.idx.msk $0xffff, v1  }
0x4d: {  	v2 =	vld [tilespmem:$0x140];
	_ =	sdelay $0x4  }
0x4e: {  	v2 =	vadd.s32 $0x1400, v2;
	_ =	sdelay $0x4  }
0x4f: {  	[tilespmem:v2+s7+$0x0] =	vst.idx.msk $0xffff, v1  }
0x50: {  	v2 =	vld [tilespmem:$0x150];
	_ =	sdelay $0x4  }
0x51: {  	v2 =	vadd.s32 $0x1400, v2;
	_ =	sdelay $0x4  }
0x52: {  	[tilespmem:v2+s7+$0x0] =	vst.idx.msk $0xffff, v1  }
0x53: {  	v2 =	vld [tilespmem:$0x160];
	_ =	sdelay $0x4  }
0x54: {  	v2 =	vadd.s32 $0x1600, v2;
	_ =	sdelay $0x4  }
0x55: {  	[tilespmem:v2+s7+$0x0] =	vst.idx.msk $0xffff, v1  }
0x56: {  	v2 =	vld [tilespmem:$0x170];
	_ =	sdelay $0x4  }
0x57: {  	v2 =	vadd.s32 $0x1600, v2;
	_ =	sdelay $0x4  }
0x58: {  	[tilespmem:v2+s7+$0x0] =	vst.idx.msk $0xffff, v1  }
0x59: {  	v2 =	vld [tilespmem:$0x180];
	_ =	sdelay $0x4  }
0x5a: {  	v2 =	vadd.s32 $0x1800, v2;
	_ =	sdelay $0x4  }
0x5b: {  	[tilespmem:v2+s7+$0x0] =	vst.idx.msk $0xffff, v1  }
0x5c: {  	v2 =	vld [tilespmem:$0x190];
	_ =	sdelay $0x4  }
0x5d: {  	v2 =	vadd.s32 $0x1800, v2;
	_ =	sdelay $0x4  }
0x5e: {  	[tilespmem:v2+s7+$0x0] =	vst.idx.msk $0xffff, v1  }
0x5f: {  	v2 =	vld [tilespmem:$0x1A0];
	_ =	sdelay $0x4  }
0x60: {  	v2 =	vadd.s32 $0x1A00, v2;
	_ =	sdelay $0x4  }
0x61: {  	[tilespmem:v2+s7+$0x0] =	vst.idx.msk $0xffff, v1  }
0x62: {  	v2 =	vld [tilespmem:$0x1B0];
	_ =	sdelay $0x4  }
0x63: {  	v2 =	vadd.s32 $0x1A00, v2;
	_ =	sdelay $0x4  }
0x64: {  	[tilespmem:v2+s7+$0x0] =	vst.idx.msk $0xffff, v1  }
0x65: {  	v2 =	vld [tilespmem:$0x1C0];
	_ =	sdelay $0x4  }
0x66: {  	v2 =	vadd.s32 $0x1C00, v2;
	_ =	sdelay $0x4  }
0x67: {  	[tilespmem:v2+s7+$0x0] =	vst.idx.msk $0xffff, v1  }
0x68: {  	v2 =	vld [tilespmem:$0x1D0];
	_ =	sdelay $0x4  }
0x69: {  	v2 =	vadd.s32 $0x1C00, v2;
	_ =	sdelay $0x4  }
0x6a: {  	[tilespmem:v2+s7+$0x0] =	vst.idx.msk $0xffff, v1  }
0x6b: {  	v2 =	vld [tilespmem:$0x1E0];
	_ =	sdelay $0x4  }
0x6c: {  	v2 =	vadd.s32 $0x1E00, v2;
	_ =	sdelay $0x4  }
0x6d: {  	[tilespmem:v2+s7+$0x0] =	vst.idx.msk $0xffff, v1  }
0x6e: {  	v2 =	vld [tilespmem:$0x1F0];
	_ =	sdelay $0x4  }
0x6f: {  	v2 =	vadd.s32 $0x1E00, v2;
	_ =	sdelay $0x2  }
0x70: {  	s8 =	sadd.s32 $0x1, s8  }
0x71: {  	p0 =	sne.s32 s8, s5  }
.Ltmp1:
0x72: {  	[tilespmem:v2+s7+$0x0] =	vst.idx.msk $0xffff, v1;
	(pc) =	sbr.rel @p0 .LBB2_1-.Ltmp1, $4  }
0x73: {  	[hbm4b:s4+s2] =	stream.linear.scatter [tilespmem:s7], [sflag:$0x1], $0x2000, $0x38;
	[tilespmem:$0x2200] =	vst v63  }
0x74: {  	_ =	swait.ge [sflag:s6], $0x2000  }
0x75: {  	[sflag:s6] =	ssyncset.done $0x0  }
0x76: {  	[sflag:s6] =	ssyncadd.s32 $0xFFFFE000  }
0x77: {  	_ =	sfence.sel $0x180000  }
0x78: {  	[bflag:$0x0] =	sbarrier.arrive $0xFFFF  }
0x79: {  	p0 =	sne.s32 s1, $0x0;
	_ =	strace $0x90000047  }
0x7a: {  	s0 =	sadd.s32 @!p0 $0x100000, s0;
	[bflag:$0x2] =	sbarrier.arrive $0xFFFF  }
0x7b: {  	[sflag:s0] =	ssyncadd.tile.s32 @!p0 $0x1;
	_ =	shalt  }
.Lfunc_end2:
_tile_overlayer_lowered:
.L_overlay_start_2:
0x7c: {  	(tag) =	ssettag $0x2  }
0x7d: {  	s0 =	rddreg [dreg:$0x0];
	s2 =	stileid.u32  }
0x7e: {  	s1 =	rddreg [dreg:$0x1];
	p0 =	sne.s32 s2, $0x0  }
0x7f: {  	s3 =	rddreg [dreg:$0x2];
	[bflag:$0x3] =	sbarrier.arrive $0xFFFF;
	s2 =	simm.s32 @!p0 $0x1C01  }
0x80: {  	[timem:s3], [sflag:s2] =	dma.local @!p0 [hbm:s0], s1  }
0x81: {  	s0 =	simm.s32 @!p0 $0x1  }
0x82: {  	_ =	swait.ge @!p0 [sflag:s0], s1  }
0x83: {  	s1 =	ssub.s32 @!p0 $0x0, s1;
	[sflag:s0] =	ssyncset.done @!p0 $0x0  }
0x84: {  	[sflag:s0] =	ssyncadd.s32 @!p0 s1  }
0x85: {  	[bflag:$0x3] =	sbarrier.arrive $0xFFFF  }
0x86: {  	_ =	shalt  }

</sc_bundles>
